<compile_context>
chip_gen: v7x
topology: tpu7x:2x2x1
jax: 0.10.2.dev20260603
libtpu: 0.0.44.dev20260713+nightly
codegen_flags: <defaults>
</compile_context>

<pallas_src>
import functools

import jax
import jax.numpy as jnp
from jax.experimental import pallas as pl
from jax.experimental.pallas import tpu as pltpu
from jax.experimental.pallas import tpu_sc as plsc


@functools.lru_cache(maxsize=None)
def _build(n_tokens: int, n_experts: int, sel_row: int):
    @functools.partial(
        pl.kernel,
        out_type=jax.ShapeDtypeStruct((n_experts,), jnp.int32),
        mesh=plsc.ScalarSubcoreMesh(axis_name="c", num_cores=1),
        scratch_types=[
            pltpu.SMEM((n_experts,), jnp.float32),
            pltpu.SMEM((n_experts,), jnp.int32),
        ],
        compiler_params=pltpu.CompilerParams(needs_layout_passes=False),
    )
    def gate_kernel(dist_hbm, board_out, row_s, board_s):
        pltpu.sync_copy(dist_hbm.at[sel_row], row_s)
        vals = []
        for e in range(n_experts):
            scaled = row_s[e] * float(n_tokens)
            v = scaled.astype(jnp.int32)
            v = v - (v.astype(jnp.float32) > scaled).astype(jnp.int32)
            vals.append(v)
        total = vals[0]
        best = vals[0]
        best_e = jnp.int32(0)
        for e in range(1, n_experts):
            total = total + vals[e]
            better = vals[e] > best
            best = jnp.where(better, vals[e], best)
            best_e = jnp.where(better, jnp.int32(e), best_e)
        remainder = jnp.int32(n_tokens) - total
        for e in range(n_experts):
            board_s[e] = vals[e] + jnp.where(
                best_e == e, remainder, jnp.int32(0)
            )
        pltpu.sync_copy(board_s, board_out)

    return gate_kernel


_RAW_HI = 2277453133
_RAW_LO = 3125294276


def _sel_row(n_samples: int) -> int:
    import numpy as np

    span = np.uint32(n_samples)
    with np.errstate(over="ignore"):
        mult = np.uint32(65536) % span
        mult = np.uint32(mult * mult) % span
        hi = np.uint32(_RAW_HI) % span
        lo = np.uint32(_RAW_LO) % span
        return int(np.uint32(np.uint32(hi * mult) + lo) % span)


def kernel(x, loaded_distribution):
    n_tokens = x.shape[0]
    n_samples, n_experts = loaded_distribution.shape
    board = _build(n_tokens, n_experts, _sel_row(n_samples))(
        loaded_distribution
    )
    topk = jnp.zeros((n_tokens, 1), jnp.bfloat16)
    return board, topk

# --- scband reference (transcript-rebuilt; emitter-appended) ---
"""Pipeline reference for scband-mimic-gate-35759897706869 (READ-ONLY COPY).

The authoritative reference and input builder live on the scoring server;
editing this copy changes nothing except your own understanding.
"""

import jax, jax.numpy as jnp
import numpy as np

N_TOKENS = 8192
D_MODEL = 1024
TOT_EXPERT = 16  # num_expert * world_size
N_SAMPLES = 128  # rows in the mimic-distribution CSV


def setup_inputs(seed: int = 0) -> dict:
    key = jax.random.key(seed)
    k1, k2 = jax.random.split(key)
    x = jax.random.normal(k1, (N_TOKENS, D_MODEL), dtype=jnp.float32)
    # Stand-in for the CSV-loaded probability table: rows are probability
    # distributions over the tot_expert experts.
    logits = jax.random.normal(k2, (N_SAMPLES, TOT_EXPERT), dtype=jnp.float32)
    loaded_distribution = jax.nn.softmax(logits, axis=-1).astype(jnp.float32)
    return {"x": x, "loaded_distribution": loaded_distribution}


def reference(x, loaded_distribution):
    n_tokens = x.shape[0]
    n_samples = loaded_distribution.shape[0]
    gate_top_k_val = jnp.zeros((n_tokens, 1), dtype=jnp.bfloat16)
    # torch.randint(n_samples, (1,)) -> deterministic jax equivalent with fixed key
    idx = jax.random.randint(jax.random.key(42), (1,), 0, n_samples)
    selected_prob = loaded_distribution[idx].squeeze(0)
    expected_tokens = n_tokens * selected_prob
    token_board = jnp.floor(expected_tokens).astype(jnp.int32)
    remainder = n_tokens - token_board.sum()
    max_idx = jnp.argmax(token_board)
    token_board = token_board.at[max_idx].add(remainder)
    return (token_board, gate_top_k_val)

if __name__ == "__main__":
    import jax
    _d = setup_inputs()
    print(jax.jit(kernel)(*tuple(_d.values())))

</pallas_src>

<mosaic_0001>
#map = affine_map<(d0) -> (0, 0)>
#map1 = affine_map<(d0) -> (0)>
module attributes {stable_mosaic.version = 14 : i64} {
  func.func @gate_kernel(%arg0: i32, %arg1: memref<128x16xf32, #tpu.memory_space<hbm>>, %arg2: memref<16xi32, #tpu.memory_space<hbm>>, %arg3: memref<16xf32, #tpu.memory_space<smem>>, %arg4: memref<16xi32, #tpu.memory_space<smem>>) attributes {dimension_semantics = [#tpu.dimension_semantics<core_parallel>], iteration_bounds = array<i64: 1>, scalar_prefetch = 0 : i64, scratch_operands = 2 : i64, tpu.core_type = #tpu.core_type<sc_scalar_subcore>, window_params = [{transform_indices = #map}, {transform_indices = #map1}]} {
    %run_scoped3A = arith.constant 68 : i32
    "tpu.region"() ({
      %run_scoped3A_356 = tpu.sem_alloc : memref<!tpu.dma_semaphore, #tpu.memory_space<semaphore_mem>>
      %dma_start3A = arith.constant 0 : i32
      %dma_start3A_357 = tpu.memref_slice %arg1[%run_scoped3A, %dma_start3A] : memref<128x16xf32, #tpu.memory_space<hbm>> -> memref<1x16xf32, #tpu.memory_space<hbm>>
      %dma_start3A_358 = tpu.memref_squeeze %dma_start3A_357 : memref<1x16xf32, #tpu.memory_space<hbm>> -> memref<16xf32, #tpu.memory_space<hbm>>
      tpu.enqueue_dma source(%dma_start3A_358 : memref<16xf32, #tpu.memory_space<hbm>>) target(%arg3 : memref<16xf32, #tpu.memory_space<smem>>) target_semaphore(%run_scoped3A_356 : memref<!tpu.dma_semaphore, #tpu.memory_space<semaphore_mem>>)
      %dma_wait3A = arith.constant 0 : i32
      %dma_wait3A_359 = tpu.memref_slice %arg1[%run_scoped3A, %dma_wait3A] : memref<128x16xf32, #tpu.memory_space<hbm>> -> memref<1x16xf32, #tpu.memory_space<hbm>>
      %dma_wait3A_360 = tpu.memref_squeeze %dma_wait3A_359 : memref<1x16xf32, #tpu.memory_space<hbm>> -> memref<16xf32, #tpu.memory_space<hbm>>
      tpu.wait_dma2 semaphore(%run_scoped3A_356 : memref<!tpu.dma_semaphore, #tpu.memory_space<semaphore_mem>>) src(%dma_wait3A_360 : memref<16xf32, #tpu.memory_space<hbm>>) dst(%arg3 : memref<16xf32, #tpu.memory_space<smem>>)
      tpu.yield
    }) : () -> ()
    %get3A = arith.constant 0 : i32
    %get3A_0 = arith.index_cast %get3A : i32 to index
    %get3A_1 = memref.load %arg3[%get3A_0] : memref<16xf32, #tpu.memory_space<smem>>
    %mul3A = arith.constant 8.192000e+03 : f32
    %mul3A_2 = arith.mulf %get3A_1, %mul3A : f32
    %convert_element_type3A = arith.fptosi %mul3A_2 : f32 to i32
    %convert_element_type3A_3 = arith.sitofp %convert_element_type3A : i32 to f32
    %gt3A = arith.cmpf ogt, %convert_element_type3A_3, %mul3A_2 : f32
    %convert_element_type3A_4 = arith.extui %gt3A : i1 to i32
    %sub3A = arith.subi %convert_element_type3A, %convert_element_type3A_4 : i32
    %get3A_5 = arith.constant 1 : i32
    %get3A_6 = arith.index_cast %get3A_5 : i32 to index
    %get3A_7 = memref.load %arg3[%get3A_6] : memref<16xf32, #tpu.memory_space<smem>>
    %mul3A_8 = arith.constant 8.192000e+03 : f32
    %mul3A_9 = arith.mulf %get3A_7, %mul3A_8 : f32
    %convert_element_type3A_10 = arith.fptosi %mul3A_9 : f32 to i32
    %convert_element_type3A_11 = arith.sitofp %convert_element_type3A_10 : i32 to f32
    %gt3A_12 = arith.cmpf ogt, %convert_element_type3A_11, %mul3A_9 : f32
    %convert_element_type3A_13 = arith.extui %gt3A_12 : i1 to i32
    %sub3A_14 = arith.subi %convert_element_type3A_10, %convert_element_type3A_13 : i32
    %get3A_15 = arith.constant 2 : i32
    %get3A_16 = arith.index_cast %get3A_15 : i32 to index
    %get3A_17 = memref.load %arg3[%get3A_16] : memref<16xf32, #tpu.memory_space<smem>>
    %mul3A_18 = arith.constant 8.192000e+03 : f32
    %mul3A_19 = arith.mulf %get3A_17, %mul3A_18 : f32
    %convert_element_type3A_20 = arith.fptosi %mul3A_19 : f32 to i32
    %convert_element_type3A_21 = arith.sitofp %convert_element_type3A_20 : i32 to f32
    %gt3A_22 = arith.cmpf ogt, %convert_element_type3A_21, %mul3A_19 : f32
    %convert_element_type3A_23 = arith.extui %gt3A_22 : i1 to i32
    %sub3A_24 = arith.subi %convert_element_type3A_20, %convert_element_type3A_23 : i32
    %get3A_25 = arith.constant 3 : i32
    %get3A_26 = arith.index_cast %get3A_25 : i32 to index
    %get3A_27 = memref.load %arg3[%get3A_26] : memref<16xf32, #tpu.memory_space<smem>>
    %mul3A_28 = arith.constant 8.192000e+03 : f32
    %mul3A_29 = arith.mulf %get3A_27, %mul3A_28 : f32
    %convert_element_type3A_30 = arith.fptosi %mul3A_29 : f32 to i32
    %convert_element_type3A_31 = arith.sitofp %convert_element_type3A_30 : i32 to f32
    %gt3A_32 = arith.cmpf ogt, %convert_element_type3A_31, %mul3A_29 : f32
    %convert_element_type3A_33 = arith.extui %gt3A_32 : i1 to i32
    %sub3A_34 = arith.subi %convert_element_type3A_30, %convert_element_type3A_33 : i32
    %get3A_35 = arith.constant 4 : i32
    %get3A_36 = arith.index_cast %get3A_35 : i32 to index
    %get3A_37 = memref.load %arg3[%get3A_36] : memref<16xf32, #tpu.memory_space<smem>>
    %mul3A_38 = arith.constant 8.192000e+03 : f32
    %mul3A_39 = arith.mulf %get3A_37, %mul3A_38 : f32
    %convert_element_type3A_40 = arith.fptosi %mul3A_39 : f32 to i32
    %convert_element_type3A_41 = arith.sitofp %convert_element_type3A_40 : i32 to f32
    %gt3A_42 = arith.cmpf ogt, %convert_element_type3A_41, %mul3A_39 : f32
    %convert_element_type3A_43 = arith.extui %gt3A_42 : i1 to i32
    %sub3A_44 = arith.subi %convert_element_type3A_40, %convert_element_type3A_43 : i32
    %get3A_45 = arith.constant 5 : i32
    %get3A_46 = arith.index_cast %get3A_45 : i32 to index
    %get3A_47 = memref.load %arg3[%get3A_46] : memref<16xf32, #tpu.memory_space<smem>>
    %mul3A_48 = arith.constant 8.192000e+03 : f32
    %mul3A_49 = arith.mulf %get3A_47, %mul3A_48 : f32
    %convert_element_type3A_50 = arith.fptosi %mul3A_49 : f32 to i32
    %convert_element_type3A_51 = arith.sitofp %convert_element_type3A_50 : i32 to f32
    %gt3A_52 = arith.cmpf ogt, %convert_element_type3A_51, %mul3A_49 : f32
    %convert_element_type3A_53 = arith.extui %gt3A_52 : i1 to i32
    %sub3A_54 = arith.subi %convert_element_type3A_50, %convert_element_type3A_53 : i32
    %get3A_55 = arith.constant 6 : i32
    %get3A_56 = arith.index_cast %get3A_55 : i32 to index
    %get3A_57 = memref.load %arg3[%get3A_56] : memref<16xf32, #tpu.memory_space<smem>>
    %mul3A_58 = arith.constant 8.192000e+03 : f32
    %mul3A_59 = arith.mulf %get3A_57, %mul3A_58 : f32
    %convert_element_type3A_60 = arith.fptosi %mul3A_59 : f32 to i32
    %convert_element_type3A_61 = arith.sitofp %convert_element_type3A_60 : i32 to f32
    %gt3A_62 = arith.cmpf ogt, %convert_element_type3A_61, %mul3A_59 : f32
    %convert_element_type3A_63 = arith.extui %gt3A_62 : i1 to i32
    %sub3A_64 = arith.subi %convert_element_type3A_60, %convert_element_type3A_63 : i32
    %get3A_65 = arith.constant 7 : i32
    %get3A_66 = arith.index_cast %get3A_65 : i32 to index
    %get3A_67 = memref.load %arg3[%get3A_66] : memref<16xf32, #tpu.memory_space<smem>>
    %mul3A_68 = arith.constant 8.192000e+03 : f32
    %mul3A_69 = arith.mulf %get3A_67, %mul3A_68 : f32
    %convert_element_type3A_70 = arith.fptosi %mul3A_69 : f32 to i32
    %convert_element_type3A_71 = arith.sitofp %convert_element_type3A_70 : i32 to f32
    %gt3A_72 = arith.cmpf ogt, %convert_element_type3A_71, %mul3A_69 : f32
    %convert_element_type3A_73 = arith.extui %gt3A_72 : i1 to i32
    %sub3A_74 = arith.subi %convert_element_type3A_70, %convert_element_type3A_73 : i32
    %get3A_75 = arith.constant 8 : i32
    %get3A_76 = arith.index_cast %get3A_75 : i32 to index
    %get3A_77 = memref.load %arg3[%get3A_76] : memref<16xf32, #tpu.memory_space<smem>>
    %mul3A_78 = arith.constant 8.192000e+03 : f32
    %mul3A_79 = arith.mulf %get3A_77, %mul3A_78 : f32
    %convert_element_type3A_80 = arith.fptosi %mul3A_79 : f32 to i32
    %convert_element_type3A_81 = arith.sitofp %convert_element_type3A_80 : i32 to f32
    %gt3A_82 = arith.cmpf ogt, %convert_element_type3A_81, %mul3A_79 : f32
    %convert_element_type3A_83 = arith.extui %gt3A_82 : i1 to i32
    %sub3A_84 = arith.subi %convert_element_type3A_80, %convert_element_type3A_83 : i32
    %get3A_85 = arith.constant 9 : i32
    %get3A_86 = arith.index_cast %get3A_85 : i32 to index
    %get3A_87 = memref.load %arg3[%get3A_86] : memref<16xf32, #tpu.memory_space<smem>>
    %mul3A_88 = arith.constant 8.192000e+03 : f32
    %mul3A_89 = arith.mulf %get3A_87, %mul3A_88 : f32
    %convert_element_type3A_90 = arith.fptosi %mul3A_89 : f32 to i32
    %convert_element_type3A_91 = arith.sitofp %convert_element_type3A_90 : i32 to f32
    %gt3A_92 = arith.cmpf ogt, %convert_element_type3A_91, %mul3A_89 : f32
    %convert_element_type3A_93 = arith.extui %gt3A_92 : i1 to i32
    %sub3A_94 = arith.subi %convert_element_type3A_90, %convert_element_type3A_93 : i32
    %get3A_95 = arith.constant 10 : i32
    %get3A_96 = arith.index_cast %get3A_95 : i32 to index
    %get3A_97 = memref.load %arg3[%get3A_96] : memref<16xf32, #tpu.memory_space<smem>>
    %mul3A_98 = arith.constant 8.192000e+03 : f32
    %mul3A_99 = arith.mulf %get3A_97, %mul3A_98 : f32
    %convert_element_type3A_100 = arith.fptosi %mul3A_99 : f32 to i32
    %convert_element_type3A_101 = arith.sitofp %convert_element_type3A_100 : i32 to f32
    %gt3A_102 = arith.cmpf ogt, %convert_element_type3A_101, %mul3A_99 : f32
    %convert_element_type3A_103 = arith.extui %gt3A_102 : i1 to i32
    %sub3A_104 = arith.subi %convert_element_type3A_100, %convert_element_type3A_103 : i32
    %get3A_105 = arith.constant 11 : i32
    %get3A_106 = arith.index_cast %get3A_105 : i32 to index
    %get3A_107 = memref.load %arg3[%get3A_106] : memref<16xf32, #tpu.memory_space<smem>>
    %mul3A_108 = arith.constant 8.192000e+03 : f32
    %mul3A_109 = arith.mulf %get3A_107, %mul3A_108 : f32
    %convert_element_type3A_110 = arith.fptosi %mul3A_109 : f32 to i32
    %convert_element_type3A_111 = arith.sitofp %convert_element_type3A_110 : i32 to f32
    %gt3A_112 = arith.cmpf ogt, %convert_element_type3A_111, %mul3A_109 : f32
    %convert_element_type3A_113 = arith.extui %gt3A_112 : i1 to i32
    %sub3A_114 = arith.subi %convert_element_type3A_110, %convert_element_type3A_113 : i32
    %get3A_115 = arith.constant 12 : i32
    %get3A_116 = arith.index_cast %get3A_115 : i32 to index
    %get3A_117 = memref.load %arg3[%get3A_116] : memref<16xf32, #tpu.memory_space<smem>>
    %mul3A_118 = arith.constant 8.192000e+03 : f32
    %mul3A_119 = arith.mulf %get3A_117, %mul3A_118 : f32
    %convert_element_type3A_120 = arith.fptosi %mul3A_119 : f32 to i32
    %convert_element_type3A_121 = arith.sitofp %convert_element_type3A_120 : i32 to f32
    %gt3A_122 = arith.cmpf ogt, %convert_element_type3A_121, %mul3A_119 : f32
    %convert_element_type3A_123 = arith.extui %gt3A_122 : i1 to i32
    %sub3A_124 = arith.subi %convert_element_type3A_120, %convert_element_type3A_123 : i32
    %get3A_125 = arith.constant 13 : i32
    %get3A_126 = arith.index_cast %get3A_125 : i32 to index
    %get3A_127 = memref.load %arg3[%get3A_126] : memref<16xf32, #tpu.memory_space<smem>>
    %mul3A_128 = arith.constant 8.192000e+03 : f32
    %mul3A_129 = arith.mulf %get3A_127, %mul3A_128 : f32
    %convert_element_type3A_130 = arith.fptosi %mul3A_129 : f32 to i32
    %convert_element_type3A_131 = arith.sitofp %convert_element_type3A_130 : i32 to f32
    %gt3A_132 = arith.cmpf ogt, %convert_element_type3A_131, %mul3A_129 : f32
    %convert_element_type3A_133 = arith.extui %gt3A_132 : i1 to i32
    %sub3A_134 = arith.subi %convert_element_type3A_130, %convert_element_type3A_133 : i32
    %get3A_135 = arith.constant 14 : i32
    %get3A_136 = arith.index_cast %get3A_135 : i32 to index
    %get3A_137 = memref.load %arg3[%get3A_136] : memref<16xf32, #tpu.memory_space<smem>>
    %mul3A_138 = arith.constant 8.192000e+03 : f32
    %mul3A_139 = arith.mulf %get3A_137, %mul3A_138 : f32
    %convert_element_type3A_140 = arith.fptosi %mul3A_139 : f32 to i32
    %convert_element_type3A_141 = arith.sitofp %convert_element_type3A_140 : i32 to f32
    %gt3A_142 = arith.cmpf ogt, %convert_element_type3A_141, %mul3A_139 : f32
    %convert_element_type3A_143 = arith.extui %gt3A_142 : i1 to i32
    %sub3A_144 = arith.subi %convert_element_type3A_140, %convert_element_type3A_143 : i32
    %get3A_145 = arith.constant 15 : i32
    %get3A_146 = arith.index_cast %get3A_145 : i32 to index
    %get3A_147 = memref.load %arg3[%get3A_146] : memref<16xf32, #tpu.memory_space<smem>>
    %mul3A_148 = arith.constant 8.192000e+03 : f32
    %mul3A_149 = arith.mulf %get3A_147, %mul3A_148 : f32
    %convert_element_type3A_150 = arith.fptosi %mul3A_149 : f32 to i32
    %convert_element_type3A_151 = arith.sitofp %convert_element_type3A_150 : i32 to f32
    %gt3A_152 = arith.cmpf ogt, %convert_element_type3A_151, %mul3A_149 : f32
    %convert_element_type3A_153 = arith.extui %gt3A_152 : i1 to i32
    %sub3A_154 = arith.subi %convert_element_type3A_150, %convert_element_type3A_153 : i32
    %add3A = arith.addi %sub3A, %sub3A_14 : i32
    %gt3A_155 = arith.cmpi sgt, %sub3A_14, %sub3A : i32
    %select_n3A = arith.select %gt3A_155, %sub3A_14, %sub3A : i32
    %jit3A = arith.constant 1 : i32
    %jit3A_156 = arith.constant 0 : i32
    %select_n3A_157 = arith.select %gt3A_155, %jit3A, %jit3A_156 : i32
    %add3A_158 = arith.addi %add3A, %sub3A_24 : i32
    %gt3A_159 = arith.cmpi sgt, %sub3A_24, %select_n3A : i32
    %select_n3A_160 = arith.select %gt3A_159, %sub3A_24, %select_n3A : i32
    %jit3A_161 = arith.constant 2 : i32
    %select_n3A_162 = arith.select %gt3A_159, %jit3A_161, %select_n3A_157 : i32
    %add3A_163 = arith.addi %add3A_158, %sub3A_34 : i32
    %gt3A_164 = arith.cmpi sgt, %sub3A_34, %select_n3A_160 : i32
    %select_n3A_165 = arith.select %gt3A_164, %sub3A_34, %select_n3A_160 : i32
    %jit3A_166 = arith.constant 3 : i32
    %select_n3A_167 = arith.select %gt3A_164, %jit3A_166, %select_n3A_162 : i32
    %add3A_168 = arith.addi %add3A_163, %sub3A_44 : i32
    %gt3A_169 = arith.cmpi sgt, %sub3A_44, %select_n3A_165 : i32
    %select_n3A_170 = arith.select %gt3A_169, %sub3A_44, %select_n3A_165 : i32
    %jit3A_171 = arith.constant 4 : i32
    %select_n3A_172 = arith.select %gt3A_169, %jit3A_171, %select_n3A_167 : i32
    %add3A_173 = arith.addi %add3A_168, %sub3A_54 : i32
    %gt3A_174 = arith.cmpi sgt, %sub3A_54, %select_n3A_170 : i32
    %select_n3A_175 = arith.select %gt3A_174, %sub3A_54, %select_n3A_170 : i32
    %jit3A_176 = arith.constant 5 : i32
    %select_n3A_177 = arith.select %gt3A_174, %jit3A_176, %select_n3A_172 : i32
    %add3A_178 = arith.addi %add3A_173, %sub3A_64 : i32
    %gt3A_179 = arith.cmpi sgt, %sub3A_64, %select_n3A_175 : i32
    %select_n3A_180 = arith.select %gt3A_179, %sub3A_64, %select_n3A_175 : i32
    %jit3A_181 = arith.constant 6 : i32
    %select_n3A_182 = arith.select %gt3A_179, %jit3A_181, %select_n3A_177 : i32
    %add3A_183 = arith.addi %add3A_178, %sub3A_74 : i32
    %gt3A_184 = arith.cmpi sgt, %sub3A_74, %select_n3A_180 : i32
    %select_n3A_185 = arith.select %gt3A_184, %sub3A_74, %select_n3A_180 : i32
    %jit3A_186 = arith.constant 7 : i32
    %select_n3A_187 = arith.select %gt3A_184, %jit3A_186, %select_n3A_182 : i32
    %add3A_188 = arith.addi %add3A_183, %sub3A_84 : i32
    %gt3A_189 = arith.cmpi sgt, %sub3A_84, %select_n3A_185 : i32
    %select_n3A_190 = arith.select %gt3A_189, %sub3A_84, %select_n3A_185 : i32
    %jit3A_191 = arith.constant 8 : i32
    %select_n3A_192 = arith.select %gt3A_189, %jit3A_191, %select_n3A_187 : i32
    %add3A_193 = arith.addi %add3A_188, %sub3A_94 : i32
    %gt3A_194 = arith.cmpi sgt, %sub3A_94, %select_n3A_190 : i32
    %select_n3A_195 = arith.select %gt3A_194, %sub3A_94, %select_n3A_190 : i32
    %jit3A_196 = arith.constant 9 : i32
    %select_n3A_197 = arith.select %gt3A_194, %jit3A_196, %select_n3A_192 : i32
    %add3A_198 = arith.addi %add3A_193, %sub3A_104 : i32
    %gt3A_199 = arith.cmpi sgt, %sub3A_104, %select_n3A_195 : i32
    %select_n3A_200 = arith.select %gt3A_199, %sub3A_104, %select_n3A_195 : i32
    %jit3A_201 = arith.constant 10 : i32
    %select_n3A_202 = arith.select %gt3A_199, %jit3A_201, %select_n3A_197 : i32
    %add3A_203 = arith.addi %add3A_198, %sub3A_114 : i32
    %gt3A_204 = arith.cmpi sgt, %sub3A_114, %select_n3A_200 : i32
    %select_n3A_205 = arith.select %gt3A_204, %sub3A_114, %select_n3A_200 : i32
    %jit3A_206 = arith.constant 11 : i32
    %select_n3A_207 = arith.select %gt3A_204, %jit3A_206, %select_n3A_202 : i32
    %add3A_208 = arith.addi %add3A_203, %sub3A_124 : i32
    %gt3A_209 = arith.cmpi sgt, %sub3A_124, %select_n3A_205 : i32
    %select_n3A_210 = arith.select %gt3A_209, %sub3A_124, %select_n3A_205 : i32
    %jit3A_211 = arith.constant 12 : i32
    %select_n3A_212 = arith.select %gt3A_209, %jit3A_211, %select_n3A_207 : i32
    %add3A_213 = arith.addi %add3A_208, %sub3A_134 : i32
    %gt3A_214 = arith.cmpi sgt, %sub3A_134, %select_n3A_210 : i32
    %select_n3A_215 = arith.select %gt3A_214, %sub3A_134, %select_n3A_210 : i32
    %jit3A_216 = arith.constant 13 : i32
    %select_n3A_217 = arith.select %gt3A_214, %jit3A_216, %select_n3A_212 : i32
    %add3A_218 = arith.addi %add3A_213, %sub3A_144 : i32
    %gt3A_219 = arith.cmpi sgt, %sub3A_144, %select_n3A_215 : i32
    %select_n3A_220 = arith.select %gt3A_219, %sub3A_144, %select_n3A_215 : i32
    %jit3A_221 = arith.constant 14 : i32
    %select_n3A_222 = arith.select %gt3A_219, %jit3A_221, %select_n3A_217 : i32
    %add3A_223 = arith.addi %add3A_218, %sub3A_154 : i32
    %gt3A_224 = arith.cmpi sgt, %sub3A_154, %select_n3A_220 : i32
    %select_n3A_225 = arith.select %gt3A_224, %sub3A_154, %select_n3A_220 : i32
    %jit3A_226 = arith.constant 15 : i32
    %select_n3A_227 = arith.select %gt3A_224, %jit3A_226, %select_n3A_222 : i32
    %sub3A_228 = arith.constant 8192 : i32
    %sub3A_229 = arith.subi %sub3A_228, %add3A_223 : i32
    %eq3A = arith.constant 0 : i32
    %eq3A_230 = arith.cmpi eq, %select_n3A_227, %eq3A : i32
    %jit3A_231 = arith.constant 0 : i32
    %select_n3A_232 = arith.select %eq3A_230, %sub3A_229, %jit3A_231 : i32
    %add3A_233 = arith.addi %sub3A, %select_n3A_232 : i32
    %swap3A = arith.constant 0 : i32
    %swap3A_234 = arith.index_cast %swap3A : i32 to index
    %swap3A_235 = memref.load %arg4[%swap3A_234] : memref<16xi32, #tpu.memory_space<smem>>
    memref.store %add3A_233, %arg4[%swap3A_234] : memref<16xi32, #tpu.memory_space<smem>>
    %eq3A_236 = arith.constant 1 : i32
    %eq3A_237 = arith.cmpi eq, %select_n3A_227, %eq3A_236 : i32
    %jit3A_238 = arith.constant 0 : i32
    %select_n3A_239 = arith.select %eq3A_237, %sub3A_229, %jit3A_238 : i32
    %add3A_240 = arith.addi %sub3A_14, %select_n3A_239 : i32
    %swap3A_241 = arith.constant 1 : i32
    %swap3A_242 = arith.index_cast %swap3A_241 : i32 to index
    %swap3A_243 = memref.load %arg4[%swap3A_242] : memref<16xi32, #tpu.memory_space<smem>>
    memref.store %add3A_240, %arg4[%swap3A_242] : memref<16xi32, #tpu.memory_space<smem>>
    %eq3A_244 = arith.constant 2 : i32
    %eq3A_245 = arith.cmpi eq, %select_n3A_227, %eq3A_244 : i32
    %jit3A_246 = arith.constant 0 : i32
    %select_n3A_247 = arith.select %eq3A_245, %sub3A_229, %jit3A_246 : i32
    %add3A_248 = arith.addi %sub3A_24, %select_n3A_247 : i32
    %swap3A_249 = arith.constant 2 : i32
    %swap3A_250 = arith.index_cast %swap3A_249 : i32 to index
    %swap3A_251 = memref.load %arg4[%swap3A_250] : memref<16xi32, #tpu.memory_space<smem>>
    memref.store %add3A_248, %arg4[%swap3A_250] : memref<16xi32, #tpu.memory_space<smem>>
    %eq3A_252 = arith.constant 3 : i32
    %eq3A_253 = arith.cmpi eq, %select_n3A_227, %eq3A_252 : i32
    %jit3A_254 = arith.constant 0 : i32
    %select_n3A_255 = arith.select %eq3A_253, %sub3A_229, %jit3A_254 : i32
    %add3A_256 = arith.addi %sub3A_34, %select_n3A_255 : i32
    %swap3A_257 = arith.constant 3 : i32
    %swap3A_258 = arith.index_cast %swap3A_257 : i32 to index
    %swap3A_259 = memref.load %arg4[%swap3A_258] : memref<16xi32, #tpu.memory_space<smem>>
    memref.store %add3A_256, %arg4[%swap3A_258] : memref<16xi32, #tpu.memory_space<smem>>
    %eq3A_260 = arith.constant 4 : i32
    %eq3A_261 = arith.cmpi eq, %select_n3A_227, %eq3A_260 : i32
    %jit3A_262 = arith.constant 0 : i32
    %select_n3A_263 = arith.select %eq3A_261, %sub3A_229, %jit3A_262 : i32
    %add3A_264 = arith.addi %sub3A_44, %select_n3A_263 : i32
    %swap3A_265 = arith.constant 4 : i32
    %swap3A_266 = arith.index_cast %swap3A_265 : i32 to index
    %swap3A_267 = memref.load %arg4[%swap3A_266] : memref<16xi32, #tpu.memory_space<smem>>
    memref.store %add3A_264, %arg4[%swap3A_266] : memref<16xi32, #tpu.memory_space<smem>>
    %eq3A_268 = arith.constant 5 : i32
    %eq3A_269 = arith.cmpi eq, %select_n3A_227, %eq3A_268 : i32
    %jit3A_270 = arith.constant 0 : i32
    %select_n3A_271 = arith.select %eq3A_269, %sub3A_229, %jit3A_270 : i32
    %add3A_272 = arith.addi %sub3A_54, %select_n3A_271 : i32
    %swap3A_273 = arith.constant 5 : i32
    %swap3A_274 = arith.index_cast %swap3A_273 : i32 to index
    %swap3A_275 = memref.load %arg4[%swap3A_274] : memref<16xi32, #tpu.memory_space<smem>>
    memref.store %add3A_272, %arg4[%swap3A_274] : memref<16xi32, #tpu.memory_space<smem>>
    %eq3A_276 = arith.constant 6 : i32
    %eq3A_277 = arith.cmpi eq, %select_n3A_227, %eq3A_276 : i32
    %jit3A_278 = arith.constant 0 : i32
    %select_n3A_279 = arith.select %eq3A_277, %sub3A_229, %jit3A_278 : i32
    %add3A_280 = arith.addi %sub3A_64, %select_n3A_279 : i32
    %swap3A_281 = arith.constant 6 : i32
    %swap3A_282 = arith.index_cast %swap3A_281 : i32 to index
    %swap3A_283 = memref.load %arg4[%swap3A_282] : memref<16xi32, #tpu.memory_space<smem>>
    memref.store %add3A_280, %arg4[%swap3A_282] : memref<16xi32, #tpu.memory_space<smem>>
    %eq3A_284 = arith.constant 7 : i32
    %eq3A_285 = arith.cmpi eq, %select_n3A_227, %eq3A_284 : i32
    %jit3A_286 = arith.constant 0 : i32
    %select_n3A_287 = arith.select %eq3A_285, %sub3A_229, %jit3A_286 : i32
    %add3A_288 = arith.addi %sub3A_74, %select_n3A_287 : i32
    %swap3A_289 = arith.constant 7 : i32
    %swap3A_290 = arith.index_cast %swap3A_289 : i32 to index
    %swap3A_291 = memref.load %arg4[%swap3A_290] : memref<16xi32, #tpu.memory_space<smem>>
    memref.store %add3A_288, %arg4[%swap3A_290] : memref<16xi32, #tpu.memory_space<smem>>
    %eq3A_292 = arith.constant 8 : i32
    %eq3A_293 = arith.cmpi eq, %select_n3A_227, %eq3A_292 : i32
    %jit3A_294 = arith.constant 0 : i32
    %select_n3A_295 = arith.select %eq3A_293, %sub3A_229, %jit3A_294 : i32
    %add3A_296 = arith.addi %sub3A_84, %select_n3A_295 : i32
    %swap3A_297 = arith.constant 8 : i32
    %swap3A_298 = arith.index_cast %swap3A_297 : i32 to index
    %swap3A_299 = memref.load %arg4[%swap3A_298] : memref<16xi32, #tpu.memory_space<smem>>
    memref.store %add3A_296, %arg4[%swap3A_298] : memref<16xi32, #tpu.memory_space<smem>>
    %eq3A_300 = arith.constant 9 : i32
    %eq3A_301 = arith.cmpi eq, %select_n3A_227, %eq3A_300 : i32
    %jit3A_302 = arith.constant 0 : i32
    %select_n3A_303 = arith.select %eq3A_301, %sub3A_229, %jit3A_302 : i32
    %add3A_304 = arith.addi %sub3A_94, %select_n3A_303 : i32
    %swap3A_305 = arith.constant 9 : i32
    %swap3A_306 = arith.index_cast %swap3A_305 : i32 to index
    %swap3A_307 = memref.load %arg4[%swap3A_306] : memref<16xi32, #tpu.memory_space<smem>>
    memref.store %add3A_304, %arg4[%swap3A_306] : memref<16xi32, #tpu.memory_space<smem>>
    %eq3A_308 = arith.constant 10 : i32
    %eq3A_309 = arith.cmpi eq, %select_n3A_227, %eq3A_308 : i32
    %jit3A_310 = arith.constant 0 : i32
    %select_n3A_311 = arith.select %eq3A_309, %sub3A_229, %jit3A_310 : i32
    %add3A_312 = arith.addi %sub3A_104, %select_n3A_311 : i32
    %swap3A_313 = arith.constant 10 : i32
    %swap3A_314 = arith.index_cast %swap3A_313 : i32 to index
    %swap3A_315 = memref.load %arg4[%swap3A_314] : memref<16xi32, #tpu.memory_space<smem>>
    memref.store %add3A_312, %arg4[%swap3A_314] : memref<16xi32, #tpu.memory_space<smem>>
    %eq3A_316 = arith.constant 11 : i32
    %eq3A_317 = arith.cmpi eq, %select_n3A_227, %eq3A_316 : i32
    %jit3A_318 = arith.constant 0 : i32
    %select_n3A_319 = arith.select %eq3A_317, %sub3A_229, %jit3A_318 : i32
    %add3A_320 = arith.addi %sub3A_114, %select_n3A_319 : i32
    %swap3A_321 = arith.constant 11 : i32
    %swap3A_322 = arith.index_cast %swap3A_321 : i32 to index
    %swap3A_323 = memref.load %arg4[%swap3A_322] : memref<16xi32, #tpu.memory_space<smem>>
    memref.store %add3A_320, %arg4[%swap3A_322] : memref<16xi32, #tpu.memory_space<smem>>
    %eq3A_324 = arith.constant 12 : i32
    %eq3A_325 = arith.cmpi eq, %select_n3A_227, %eq3A_324 : i32
    %jit3A_326 = arith.constant 0 : i32
    %select_n3A_327 = arith.select %eq3A_325, %sub3A_229, %jit3A_326 : i32
    %add3A_328 = arith.addi %sub3A_124, %select_n3A_327 : i32
    %swap3A_329 = arith.constant 12 : i32
    %swap3A_330 = arith.index_cast %swap3A_329 : i32 to index
    %swap3A_331 = memref.load %arg4[%swap3A_330] : memref<16xi32, #tpu.memory_space<smem>>
    memref.store %add3A_328, %arg4[%swap3A_330] : memref<16xi32, #tpu.memory_space<smem>>
    %eq3A_332 = arith.constant 13 : i32
    %eq3A_333 = arith.cmpi eq, %select_n3A_227, %eq3A_332 : i32
    %jit3A_334 = arith.constant 0 : i32
    %select_n3A_335 = arith.select %eq3A_333, %sub3A_229, %jit3A_334 : i32
    %add3A_336 = arith.addi %sub3A_134, %select_n3A_335 : i32
    %swap3A_337 = arith.constant 13 : i32
    %swap3A_338 = arith.index_cast %swap3A_337 : i32 to index
    %swap3A_339 = memref.load %arg4[%swap3A_338] : memref<16xi32, #tpu.memory_space<smem>>
    memref.store %add3A_336, %arg4[%swap3A_338] : memref<16xi32, #tpu.memory_space<smem>>
    %eq3A_340 = arith.constant 14 : i32
    %eq3A_341 = arith.cmpi eq, %select_n3A_227, %eq3A_340 : i32
    %jit3A_342 = arith.constant 0 : i32
    %select_n3A_343 = arith.select %eq3A_341, %sub3A_229, %jit3A_342 : i32
    %add3A_344 = arith.addi %sub3A_144, %select_n3A_343 : i32
    %swap3A_345 = arith.constant 14 : i32
    %swap3A_346 = arith.index_cast %swap3A_345 : i32 to index
    %swap3A_347 = memref.load %arg4[%swap3A_346] : memref<16xi32, #tpu.memory_space<smem>>
    memref.store %add3A_344, %arg4[%swap3A_346] : memref<16xi32, #tpu.memory_space<smem>>
    %eq3A_348 = arith.constant 15 : i32
    %eq3A_349 = arith.cmpi eq, %select_n3A_227, %eq3A_348 : i32
    %jit3A_350 = arith.constant 0 : i32
    %select_n3A_351 = arith.select %eq3A_349, %sub3A_229, %jit3A_350 : i32
    %add3A_352 = arith.addi %sub3A_154, %select_n3A_351 : i32
    %swap3A_353 = arith.constant 15 : i32
    %swap3A_354 = arith.index_cast %swap3A_353 : i32 to index
    %swap3A_355 = memref.load %arg4[%swap3A_354] : memref<16xi32, #tpu.memory_space<smem>>
    memref.store %add3A_352, %arg4[%swap3A_354] : memref<16xi32, #tpu.memory_space<smem>>
    "tpu.region"() ({
      %run_scoped3A_356 = tpu.sem_alloc : memref<!tpu.dma_semaphore, #tpu.memory_space<semaphore_mem>>
      tpu.enqueue_dma source(%arg4 : memref<16xi32, #tpu.memory_space<smem>>) target(%arg2 : memref<16xi32, #tpu.memory_space<hbm>>) target_semaphore(%run_scoped3A_356 : memref<!tpu.dma_semaphore, #tpu.memory_space<semaphore_mem>>)
      tpu.wait_dma2 semaphore(%run_scoped3A_356 : memref<!tpu.dma_semaphore, #tpu.memory_space<semaphore_mem>>) src(%arg4 : memref<16xi32, #tpu.memory_space<smem>>) dst(%arg2 : memref<16xi32, #tpu.memory_space<hbm>>)
      tpu.yield
    }) : () -> ()
    return
  }
}

</mosaic_0001>

<sc_bundles>
// kernel: kernel.3.cloned.1.call-start
scs
__scs_entry_jumppad:
0x0: {  	(pc) =	sbr.rel $0x88, $3  }
0x1: {  	(tag) =	ssettag $0x0;
	lr =	simm.s32 $0x1  }
0x2: {  	[smem:$0x3FA0] =	sst lr;
	_ =	strace $0xD0000000  }
0x3: {  	_ = 	snop  }
0x4: {  	_ = 	snop  }
0x5: {  	_ = 	snop  }
0x6: {  	_ = 	snop  }
0x7: {  	_ = 	snop  }
__scs_overlays_trampoline_lowered:
0x8: {  	[smem:$0x3FAF] =	sst s0  }
0x9: {  	[smem:$0x3FB0] =	sst s1  }
0xa: {  	[smem:$0x3FB1] =	sst s2  }
0xb: {  	[smem:$0x3FB2] =	sst s3  }
0xc: {  	[smem:$0x3FB3] =	sst s4  }
0xd: {  	[smem:$0x3FB4] =	sst s5  }
0xe: {  	[smem:$0x3FB5] =	sst s6  }
0xf: {  	[smem:$0x3FB6] =	sst s7  }
0x10: {  	[smem:$0x3FB7] =	sst s8  }
0x11: {  	[smem:$0x3FB8] =	sst s9;
	s0 =	simm.s32 @!p0 $0x0  }
0x12: {  	s1 =	sld [smem:$0x3F9E];
	s0 =	simm.s32 @p0 $0x1  }
0x13: {  	[smem:$0x3FB9] =	sst s0;
	s0 =	simm.s32 @!p1 $0x0  }
0x14: {  	s2 =	sld [smem:$0x3F9D];
	s0 =	simm.s32 @p1 $0x1  }
0x15: {  	[smem:$0x3FBA] =	sst s0;
	s0 =	simm.s32 @!p2 $0x0  }
0x16: {  	s3 =	sld [smem:$0x3FDB];
	s0 =	simm.s32 @p2 $0x1  }
0x17: {  	s4 =	simm.s32 $0x1BF5;
	[smem:$0x3FBC] =	sst s0  }
0x18: {  	s0 =	sld [smem:$0x3F9F];
	_ =	swait.ge [sflag:s4], $0x0  }
0x19: {  	s7 =	sld [smem:$0x3FA0]  }
0x1a: {  	s8 =	sadd.s32 $0xFFFFE003, lr  }
0x1b: {  	s9 =	sadd.s32 $0xFFFFFEF7, lr;
	s5 =	simm.s32 $0xFFFFFFFF;
	p2 =	slt.u32 s8, $0xFFFFF086  }
0x1c: {  	p1 =	slt.u32 s9, $0xF7A;
	s5 =	simm.s32 @!p2 $0x0  }
0x1d: {  	s5 =	simm.s32 @p1 $0x1;
	p0 =	seq.s32 s7, s2  }
0x1e: {  	s7 =	smul.u32 @!p0 $0xF7A, s2;
	p2 =	seq.s32 @!p0 s5, $0x0  }
0x1f: {  	s9 =	smul.u32 $0xF7A, s1;
	s8 =	simm.s32 @!p0 $0x1BF5;
	p2 =	por !p2, p0  }
0x20: {  	[sflag:s8] =	ssyncset.s32 @!p0 $0xFFFFF086;
	s6 =	sadd.s32 @!p0 s3, s7;
	s7 =	simm.s32 @!p0 $0x108  }
0x21: {  	s3 =	sadd.s32 s3, s9;
	s6 =	sadd.s32 @!p0 $0x88, s6;
	s7 =	simm.s32 @p2 $0x1082  }
0x22: {  	[simem:s7], [sflag:s8] =	dma.local @!p0 [hbm:s6], $0xF7A  }
0x23: {  	s9 =	sor.u32 $0xD0000000, s2;
	s6 =	simm.s32 $0x108;
	_ =	swait.ge @!p0 [sflag:s8], $0x0  }
0x24: {  	s3 =	sadd.s32 $0x88, s3;
	s6 =	simm.s32 @!p1 $0x1082;
	[sflag:s4] =	ssyncset.s32 $0xFFFFF086  }
0x25: {  	[simem:s6], [sflag:s4] =	dma.local [hbm:s3], $0xF7A  }
0x26: {  	[smem:$0x3FA0] =	sst s1;
	(tag) =	ssettag s2;
	_ =	strace s9  }
0x27: {  	s1 =	sld [smem:$0x3FB0]  }
0x28: {  	s2 =	sld [smem:$0x3FB1]  }
0x29: {  	s4 =	sld [smem:$0x3FB3]  }
0x2a: {  	p0 =	seq.s32 s5, $0x0;
	s5 =	sld [smem:$0x3FB4]  }
0x2b: {  	s6 =	sld [smem:$0x3FB5]  }
0x2c: {  	s7 =	sld [smem:$0x3FB6]  }
0x2d: {  	s3 =	simm.s32 $0x108;
	s8 =	sld [smem:$0x3FB7]  }
0x2e: {  	s3 =	simm.s32 @!p0 $0x1082;
	s9 =	sld [smem:$0x3FB8]  }
0x2f: {  	lr =	sadd.s32 s0, s3;
	s0 =	sld [smem:$0x3FAF]  }
0x30: {  	s3 =	sld [smem:$0x3FB2]  }
0x31: {  	[smem:$0x3FBB] =	sst s10  }
0x32: {  	s10 =	sld [smem:$0x3FB9];
	_ =	sdelay $0x3  }
0x33: {  	p0 =	seq.s32 s10, $0x1;
	s10 =	sld [smem:$0x3FBB];
	_ =	sdelay $0x3  }
0x34: {  	[smem:$0x3FBB] =	sst s10  }
0x35: {  	s10 =	sld [smem:$0x3FBA];
	_ =	sdelay $0x3  }
0x36: {  	p1 =	seq.s32 s10, $0x1;
	s10 =	sld [smem:$0x3FBB];
	_ =	sdelay $0x3  }
0x37: {  	[smem:$0x3FBB] =	sst s10  }
0x38: {  	s10 =	sld [smem:$0x3FBC]  }
0x39: {  	_ = 	snop;
	(pc) =	sbr.ind lr, $3  }
0x3a: {  	_ = 	snop  }
0x3b: {  	_ = 	snop  }
0x3c: {  	p2 =	seq.s32 s10, $0x1;
	s10 =	sld [smem:$0x3FBB]  }
0x3d: {  	_ =	shalt  }
0x3e: {  	_ =	shalt  }
0x3f: {  	_ =	shalt  }
0x40: {  	_ =	shalt  }
0x41: {  	_ =	shalt  }
0x42: {  	_ =	shalt  }
0x43: {  	_ =	shalt  }
0x44: {  	_ =	shalt  }
0x45: {  	_ =	shalt  }
0x46: {  	_ =	shalt  }
0x47: {  	_ =	shalt  }
0x48: {  	_ =	shalt  }
0x49: {  	_ =	shalt  }
0x4a: {  	_ =	shalt  }
0x4b: {  	_ =	shalt  }
0x4c: {  	_ =	shalt  }
0x4d: {  	_ =	shalt  }
0x4e: {  	_ =	shalt  }
0x4f: {  	_ =	shalt  }
0x50: {  	_ =	shalt  }
0x51: {  	_ =	shalt  }
0x52: {  	_ =	shalt  }
0x53: {  	_ =	shalt  }
0x54: {  	_ =	shalt  }
0x55: {  	_ =	shalt  }
0x56: {  	_ =	shalt  }
0x57: {  	_ =	shalt  }
0x58: {  	_ =	shalt  }
0x59: {  	_ =	shalt  }
0x5a: {  	_ =	shalt  }
0x5b: {  	_ =	shalt  }
0x5c: {  	_ =	shalt  }
0x5d: {  	_ =	shalt  }
0x5e: {  	_ =	shalt  }
0x5f: {  	_ =	shalt  }
0x60: {  	_ =	shalt  }
0x61: {  	_ =	shalt  }
0x62: {  	_ =	shalt  }
0x63: {  	_ =	shalt  }
0x64: {  	_ =	shalt  }
0x65: {  	_ =	shalt  }
0x66: {  	_ =	shalt  }
0x67: {  	_ =	shalt  }
0x68: {  	_ =	shalt  }
0x69: {  	_ =	shalt  }
0x6a: {  	_ =	shalt  }
0x6b: {  	_ =	shalt  }
0x6c: {  	_ =	shalt  }
0x6d: {  	_ =	shalt  }
0x6e: {  	_ =	shalt  }
0x6f: {  	_ =	shalt  }
0x70: {  	_ =	shalt  }
0x71: {  	_ =	shalt  }
0x72: {  	_ =	shalt  }
0x73: {  	_ =	shalt  }
0x74: {  	_ =	shalt  }
0x75: {  	_ =	shalt  }
0x76: {  	_ =	shalt  }
0x77: {  	_ =	shalt  }
0x78: {  	_ =	shalt  }
0x79: {  	_ =	shalt  }
0x7a: {  	_ =	shalt  }
0x7b: {  	_ =	shalt  }
0x7c: {  	_ =	shalt  }
0x7d: {  	_ =	shalt  }
0x7e: {  	_ =	shalt  }
0x7f: {  	_ =	shalt  }
0x80: {  	_ =	shalt  }
0x81: {  	_ =	shalt  }
0x82: {  	_ =	shalt  }
0x83: {  	_ =	shalt  }
0x84: {  	_ =	shalt  }
0x85: {  	_ =	shalt  }
0x86: {  	_ =	shalt  }
0x87: {  	_ =	shalt  }
.Lfunc_end0:
.L_simem_size_0:
called_computation_lowered:
.L_overlay_start_0:
0x88: {  	s0 =	sld [smem:$0x3FD9]  }
0x89: {  	s1 =	sld [smem:$0x3FFE];
	_ =	sdelay $0x3  }
0x8a: {  	s0 =	sadd.s32 s1, s0  }
0x8b: {  	[smem:$0x3FC7] =	sst s0  }
0x8c: {  	_ = 	snop  }
0x8d: {  	s0 =	sld [smem:$0x3FD0];
	_ =	sdelay $0x2  }
0x8e: {  	s11 =	simm.s32 $0xA;
	s2 =	simm.s32 $0x110  }
0x8f: {  	[smem:s2], [sflag:s11] =	dma.local [hbm:s0], $0x1  }
0x90: {  	_ =	swait.eq [sflag:s11], $0x1  }
0x91: {  	[sflag:s11] =	ssyncset.done $0x0  }
0x92: {  	s12 =	simm.s32 $0x0;
	s0 =	sld [smem:$0x110];
	[sflag:s11] =	ssyncadd.s32 $0xFFFFFFFF  }
0x93: {  	[smem:$0xF] =	sst s12  }
0x94: {  	(tm) =	ssettm $0x1  }
0x95: {  	s13 =	sld [smem:$0x3FFB];
	_ =	sdelay $0x3  }
0x96: {  	_ =	strace s13  }
0x97: {  	s1 =	sld [smem:$0x3FFC];
	_ =	sdelay $0x3  }
0x98: {  	_ =	strace s1  }
0x99: {  	s1 =	sld [smem:$0x3FFD];
	_ =	sdelay $0x3  }
0x9a: {  	_ =	strace s1  }
0x9b: {  	s14 =	simm.s32 $0x1B8B;
	_ =	strace $0x8FFFFFFF  }
0x9c: {  	_ =	swait.ge [sflag:s14], $0x1  }
0x9d: {  	s15 =	sld [smem:$0x3FFE]  }
0x9e: {  	[sflag:s14] =	ssyncset.done $0x0  }
0x9f: {  	s16 =	simm.s32 $0x1B8E;
	[sflag:s14] =	ssyncadd.s32 $0xFFFFFFFF  }
0xa0: {  	s3 =	simm.s32 $0x10;
	[smem:$0x3FD2] =	sst s16  }
0xa1: {  	s1 =	simm.s32 $0x9;
	_ =	strace $0x80000046;
	s2 =	sadd.s32 $0x840, s15  }
0xa2: {  	[smem:s3], [sflag:s1] =	dma.local [hbm:s2], $0x10  }
0xa3: {  	_ =	swait.ge [sflag:s1], $0x10  }
0xa4: {  	[sflag:s1] =	ssyncset.done $0x0  }
0xa5: {  	[sflag:s1] =	ssyncadd.s32 $0xFFFFFFF0  }
0xa6: {  	s17 =	sld [smem:$0x10]  }
0xa7: {  	s18 =	sld [smem:$0x11]  }
0xa8: {  	s6 =	sld [smem:$0x12]  }
0xa9: {  	s7 =	sld [smem:$0x13]  }
0xaa: {  	s11 =	sld [smem:$0x14];
	s2 =	smul.f32 $8.192000000e+03, s17  }
0xab: {  	s12 =	sld [smem:$0x15];
	s3 =	smul.f32 $8.192000000e+03, s18  }
0xac: {  	s23 =	sld [smem:$0x16];
	s19 =	smul.f32 $8.192000000e+03, s6  }
0xad: {  	s24 =	sld [smem:$0x17];
	s7 =	smul.f32 $8.192000000e+03, s7  }
0xae: {  	s11 =	smul.f32 $8.192000000e+03, s11  }
0xaf: {  	s13 =	smul.f32 $8.192000000e+03, s12  }
0xb0: {  	s26 =	smul.f32 $8.192000000e+03, s23  }
0xb1: {  	s18 =	smul.f32 $8.192000000e+03, s24  }
0xb2: {  	s4 =	scvt.f32.s32 s2;
	s5 =	scvt.f32.s32 s3  }
0xb3: {  	s10 =	scvt.f32.s32 s19;
	s9 =	scvt.f32.s32 s7  }
0xb4: {  	s6 =	scvt.f32.s32 s26;
	s8 =	scvt.s32.f32 s4  }
0xb5: {  	s20 =	scvt.s32.f32 s5;
	s22 =	scvt.s32.f32 s9  }
0xb6: {  	s21 =	scvt.s32.f32 s10;
	s28 =	scvt.s32.f32 s6  }
0xb7: {  	p0 =	slt.f32 s2, s8;
	p1 =	slt.f32 s7, s22  }
0xb8: {  	s2 =	scvt.f32.s32 s11;
	s7 =	scvt.f32.s32 s18  }
0xb9: {  	s8 =	simm.s32 $0x1;
	s22 =	sld [smem:$0x1B];
	p3 =	slt.f32 s26, s28  }
0xba: {  	s8 =	simm.s32 @!p0 $0x0;
	p0 =	slt.f32 s3, s20;
	s25 =	scvt.s32.f32 s2  }
0xbb: {  	s14 =	simm.s32 $0x1;
	s3 =	scvt.f32.s32 s13;
	s20 =	sld [smem:$0x19]  }
0xbc: {  	s29 =	scvt.s32.f32 s7;
	s14 =	simm.s32 @!p0 $0x0;
	p0 =	slt.f32 s19, s21  }
0xbd: {  	s17 =	scvt.s32.f32 s3;
	s19 =	sld [smem:$0x18]  }
0xbe: {  	s15 =	simm.s32 $0x1;
	s21 =	sld [smem:$0x1A];
	s24 =	smul.f32 $8.192000000e+03, s22  }
0xbf: {  	s15 =	simm.s32 @!p0 $0x0;
	p0 =	slt.f32 s11, s25;
	p2 =	slt.f32 s13, s17  }
0xc0: {  	s23 =	smul.f32 $8.192000000e+03, s20;
	s25 =	sld [smem:$0x1C]  }
0xc1: {  	s12 =	simm.s32 $0x1;
	s22 =	scvt.f32.s32 s24;
	s19 =	smul.f32 $8.192000000e+03, s19  }
0xc2: {  	s12 =	simm.s32 @!p0 $0x0;
	p0 =	slt.f32 s18, s29;
	s13 =	scvt.f32.s32 s23  }
0xc3: {  	s17 =	smul.f32 $8.192000000e+03, s21;
	s28 =	scvt.s32.f32 s22  }
0xc4: {  	s29 =	sld [smem:$0x1D];
	s20 =	scvt.f32.s32 s19  }
0xc5: {  	s31 =	scvt.s32.f32 s13;
	s21 =	scvt.f32.s32 s17  }
0xc6: {  	s16 =	simm.s32 $0x1;
	p6 =	slt.f32 s24, s28;
	s30 =	scvt.s32.f32 s20  }
0xc7: {  	s16 =	simm.s32 @!p1 $0x0;
	p1 =	slt.f32 s23, s31;
	s26 =	scvt.s32.f32 s21  }
0xc8: {  	s23 =	smul.f32 $8.192000000e+03, s25;
	s31 =	sld [smem:$0x1F];
	s11 =	simm.s32 @!p6 $0x0  }
0xc9: {  	s11 =	simm.s32 @p6 $0x1;
	p4 =	slt.f32 s19, s30;
	s30 =	sld [smem:$0x1E]  }
0xca: {  	s9 =	ssub.s32 s9, s16;
	p5 =	slt.f32 s17, s26;
	[smem:$0x3F9B] =	sst s11  }
0xcb: {  	s26 =	simm.s32 $0x1;
	s24 =	scvt.f32.s32 s23;
	s19 =	smul.f32 $8.192000000e+03, s29  }
0xcc: {  	s11 =	ssub.s32 s4, s8;
	s8 =	ssub.s32 s5, s14;
	s5 =	ssub.s32 s10, s15  }
0xcd: {  	s4 =	simm.s32 $0x1;
	s28 =	scvt.f32.s32 s19;
	s29 =	smul.f32 $8.192000000e+03, s31  }
0xce: {  	s10 =	simm.s32 $0x1;
	s26 =	simm.s32 @!p2 $0x0;
	s25 =	smul.f32 $8.192000000e+03, s30  }
0xcf: {  	s4 =	simm.s32 @!p3 $0x0;
	s30 =	scvt.s32.f32 s28;
	s31 =	scvt.f32.s32 s29  }
0xd0: {  	s18 =	scvt.s32.f32 s24;
	s15 =	ssub.s32 s3, s26;
	s26 =	sld [smem:$0x3F9B]  }
0xd1: {  	s10 =	simm.s32 @!p0 $0x0;
	p2 =	slt.f32 s19, s30;
	s19 =	scvt.s32.f32 s31  }
0xd2: {  	s16 =	ssub.s32 s6, s4;
	p6 =	slt.f32 s23, s18;
	s18 =	scvt.f32.s32 s25  }
0xd3: {  	s3 =	simm.s32 $0x1;
	s4 =	simm.s32 $0x1;
	p0 =	slt.f32 s29, s19  }
0xd4: {  	s30 =	simm.s32 $0x1;
	s3 =	simm.s32 @!p6 $0x0;
	s17 =	scvt.s32.f32 s18  }
0xd5: {  	s19 =	smov.u32 s11;
	s29 =	simm.s32 $0x1;
	s14 =	simm.s32 @!p0 $0x0  }
0xd6: {  	s29 =	simm.s32 @!p1 $0x0;
	s14 =	simm.s32 @p0 $0x1;
	p0 =	sgt.s32 s8, s11  }
0xd7: {  	p3 =	slt.f32 s25, s17;
	s25 =	simm.s32 $0x1;
	s19 =	smov.u32 @p0 s8  }
0xd8: {  	s17 =	ssub.s32 s2, s12;
	s2 =	simm.s32 $0x1;
	p1 =	sgt.s32 s5, s19  }
0xd9: {  	s25 =	simm.s32 @!p4 $0x0;
	p4 =	seq.s32 s26, $0x1;
	s19 =	smov.u32 @p1 s5  }
0xda: {  	s30 =	simm.s32 @!p5 $0x0;
	s2 =	simm.s32 @!p4 $0x0;
	p4 =	sgt.s32 s9, s19  }
0xdb: {  	s4 =	simm.s32 @!p2 $0x0;
	s13 =	ssub.s32 s13, s29;
	s19 =	smov.u32 @p4 s9  }
0xdc: {  	[smem:$0x3F9C] =	sst s14;
	s14 =	ssub.s32 s7, s10;
	p5 =	sgt.s32 s17, s19  }
0xdd: {  	s12 =	ssub.s32 s20, s25;
	s29 =	sld [smem:$0x3F9C];
	s19 =	smov.u32 @p5 s17  }
0xde: {  	s10 =	ssub.s32 s21, s30;
	s20 =	simm.s32 $0x1;
	p2 =	sgt.s32 s15, s19  }
0xdf: {  	s7 =	ssub.s32 s24, s3;
	s21 =	simm.s32 $0x1;
	s19 =	smov.u32 @p2 s15  }
0xe0: {  	s30 =	sadd.s32 s8, s11;
	s20 =	simm.s32 @!p3 $0x0;
	p3 =	sgt.s32 s16, s19  }
0xe1: {  	s6 =	ssub.s32 s22, s2;
	p6 =	seq.s32 s29, $0x1;
	s19 =	smov.u32 @p3 s16  }
0xe2: {  	s2 =	ssub.s32 s28, s4;
	s21 =	simm.s32 @!p6 $0x0;
	p6 =	sgt.s32 s14, s19  }
0xe3: {  	s4 =	simm.s32 $0x1;
	s3 =	ssub.s32 s18, s20;
	s19 =	smov.u32 @p6 s14  }
0xe4: {  	s4 =	simm.s32 @!p0 $0x0;
	s20 =	sadd.s32 s5, s30;
	p0 =	sgt.s32 s12, s19  }
0xe5: {  	s4 =	simm.s32 @p1 $0x2;
	s20 =	sadd.s32 s9, s20;
	s19 =	smov.u32 @p0 s12  }
0xe6: {  	s4 =	simm.s32 @p4 $0x3;
	s20 =	sadd.s32 s17, s20;
	p1 =	sgt.s32 s13, s19  }
0xe7: {  	s20 =	sadd.s32 s15, s20;
	s4 =	simm.s32 @p5 $0x4;
	s19 =	smov.u32 @p1 s13  }
0xe8: {  	s20 =	sadd.s32 s16, s20;
	s4 =	simm.s32 @p2 $0x5;
	p2 =	sgt.s32 s10, s19  }
0xe9: {  	s20 =	sadd.s32 s14, s20;
	s19 =	smov.u32 @p2 s10  }
0xea: {  	s18 =	ssub.s32 s31, s21;
	s4 =	simm.s32 @p3 $0x6;
	p3 =	sgt.s32 s6, s19  }
0xeb: {  	s20 =	sadd.s32 s12, s20;
	s4 =	simm.s32 @p6 $0x7;
	s19 =	smov.u32 @p3 s6  }
0xec: {  	s20 =	sadd.s32 s13, s20;
	s4 =	simm.s32 @p0 $0x8;
	p0 =	sgt.s32 s7, s19  }
0xed: {  	s20 =	sadd.s32 s10, s20;
	s4 =	simm.s32 @p1 $0x9;
	s19 =	smov.u32 @p0 s7  }
0xee: {  	s20 =	sadd.s32 s6, s20;
	s4 =	simm.s32 @p2 $0xA;
	p1 =	sgt.s32 s2, s19  }
0xef: {  	s20 =	sadd.s32 s7, s20;
	s4 =	simm.s32 @p3 $0xB;
	s19 =	smov.u32 @p1 s2  }
0xf0: {  	s20 =	sadd.s32 s2, s20;
	s4 =	simm.s32 @p0 $0xC;
	p0 =	sgt.s32 s3, s19  }
0xf1: {  	s20 =	sadd.s32 s3, s20;
	s4 =	simm.s32 @p1 $0xD;
	s19 =	smov.u32 @p0 s3  }
0xf2: {  	s31 =	sadd.s32 s18, s20;
	s4 =	simm.s32 @p0 $0xE;
	p0 =	sgt.s32 s18, s19  }
0xf3: {  	s19 =	ssub.s32 $0x2000, s31;
	s4 =	simm.s32 @p0 $0xF  }
0xf4: {  	s20 =	smov.u32 s19;
	p0 =	seq.s32 s4, $0x0  }
0xf5: {  	s20 =	simm.s32 @!p0 $0x0  }
0xf6: {  	s11 =	sadd.s32 s11, s20  }
0xf7: {  	p0 =	seq.s32 s4, $0x1;
	s20 =	smov.u32 s19;
	[smem:$0x90] =	sst s11  }
0xf8: {  	s20 =	simm.s32 @!p0 $0x0;
	p0 =	seq.s32 s4, $0x2;
	s11 =	smov.u32 s19  }
0xf9: {  	s8 =	sadd.s32 s8, s20;
	s11 =	simm.s32 @!p0 $0x0;
	p0 =	seq.s32 s4, $0x3  }
0xfa: {  	s20 =	smov.u32 s19;
	[smem:$0x91] =	sst s8;
	s5 =	sadd.s32 s5, s11  }
0xfb: {  	s20 =	simm.s32 @!p0 $0x0;
	p0 =	seq.s32 s4, $0x4;
	s8 =	smov.u32 s19  }
0xfc: {  	[smem:$0x92] =	sst s5;
	s20 =	sadd.s32 s9, s20;
	s8 =	simm.s32 @!p0 $0x0  }
0xfd: {  	p0 =	seq.s32 s4, $0x5;
	s5 =	smov.u32 s19;
	s9 =	smov.u32 s19  }
0xfe: {  	[smem:$0x93] =	sst s20;
	s8 =	sadd.s32 s17, s8;
	s5 =	simm.s32 @!p0 $0x0  }
0xff: {  	p0 =	seq.s32 s4, $0x6;
	[smem:$0x94] =	sst s8;
	s5 =	sadd.s32 s15, s5  }
0x100: {  	s9 =	simm.s32 @!p0 $0x0;
	p0 =	seq.s32 s4, $0x7;
	s8 =	smov.u32 s19  }
0x101: {  	[smem:$0x95] =	sst s5;
	s21 =	sadd.s32 s16, s9;
	s8 =	simm.s32 @!p0 $0x0  }
0x102: {  	p0 =	seq.s32 s4, $0x8;
	s5 =	smov.u32 s19;
	s9 =	smov.u32 s19  }
0x103: {  	[smem:$0x96] =	sst s21;
	s8 =	sadd.s32 s14, s8;
	s5 =	simm.s32 @!p0 $0x0  }
0x104: {  	p0 =	seq.s32 s4, $0x9;
	[smem:$0x97] =	sst s8;
	s5 =	sadd.s32 s12, s5  }
0x105: {  	s9 =	simm.s32 @!p0 $0x0;
	p0 =	seq.s32 s4, $0xA;
	s8 =	smov.u32 s19  }
0x106: {  	[smem:$0x98] =	sst s5;
	s22 =	sadd.s32 s13, s9;
	s8 =	simm.s32 @!p0 $0x0  }
0x107: {  	p0 =	seq.s32 s4, $0xB;
	s5 =	smov.u32 s19;
	s9 =	smov.u32 s19  }
0x108: {  	[smem:$0x99] =	sst s22;
	s8 =	sadd.s32 s10, s8;
	s5 =	simm.s32 @!p0 $0x0  }
0x109: {  	p0 =	seq.s32 s4, $0xC;
	[smem:$0x9A] =	sst s8;
	s5 =	sadd.s32 s6, s5  }
0x10a: {  	s9 =	simm.s32 @!p0 $0x0;
	p0 =	seq.s32 s4, $0xD;
	s6 =	smov.u32 s19  }
0x10b: {  	[smem:$0x9B] =	sst s5;
	s23 =	sadd.s32 s7, s9;
	s6 =	simm.s32 @!p0 $0x0  }
0x10c: {  	p0 =	seq.s32 s4, $0xE;
	s5 =	smov.u32 s19;
	[smem:$0x9C] =	sst s23  }
0x10d: {  	s2 =	sadd.s32 s2, s6;
	s5 =	simm.s32 @!p0 $0x0;
	p0 =	seq.s32 s4, $0xF  }
0x10e: {  	[smem:$0x9D] =	sst s2;
	s24 =	sadd.s32 s3, s5;
	s19 =	simm.s32 @!p0 $0x0  }
0x10f: {  	[smem:$0x9E] =	sst s24;
	s25 =	sadd.s32 s18, s19  }
0x110: {  	s26 =	simm.s32 $0x90;
	[smem:$0x9F] =	sst s25  }
0x111: {  	[hbm:s0], [sflag:s1] =	dma.local [smem:s26], $0x10  }
0x112: {  	_ =	swait.ge [sflag:s1], $0x10  }
0x113: {  	[sflag:s1] =	ssyncset.done $0x0  }
0x114: {  	[sflag:s1] =	ssyncadd.s32 $0xFFFFFFF0  }
0x115: {  	_ =	strace $0x90000046  }
0x116: {  	_ =	sfence  }
0x117: {  	s28 =	sld [smem:$0x0];
	_ =	sdelay $0x1  }
0x118: {  	s29 =	srdreg.scid  }
0x119: {  	s30 =	sshll.u32 s29, $0xD;
	s31 =	sshrl.u32 s29, $0x2  }
0x11a: {  	s2 =	sand.u32 $0x4000, s30;
	s1 =	sand.u32 $0x1, s29;
	s0 =	sadd.s32 s31, s28  }
0x11b: {  	s1 =	sor.u32 s2, s1;
	s0 =	sshll.u32 s0, $0x11  }
0x11c: {  	s0 =	sor.u32 s0, s1  }
0x11d: {  	s0 =	sadd.s32 $0x8F2B, s0;
	(pc) =	sbr.abs _section_cstart, $3  }
0x11e: {  	[sflag:s0] =	ssyncadd.remote.s32 $0x1  }
0x11f: {  	_ =	strace $0x9FFFFFFF  }
0x120: {  	(tm) =	ssettm $0x7FFFFFFF  }
0x121: {  	_ =	shalt  }

</sc_bundles>
